<compile_context>
chip_gen: v7x
topology: tpu7x:2x2x1
jax: 0.10.2.dev20260603
libtpu: 0.0.44.dev20260713+nightly
codegen_flags: <defaults>
</compile_context>

<pallas_src>
import functools

import jax
import jax.numpy as jnp
from jax import lax
from jax.experimental import pallas as pl
from jax.experimental.pallas import tpu as pltpu
from jax.experimental.pallas import tpu_sc as plsc

TEMP = 0.05
LOG2E = 1.4426950408889634


def _sc_gather_rows(features, targets):
    n_rows, d = features.shape
    b = targets.shape[0]
    try:
        info = plsc.get_sparse_core_info()
        nc, ns = info.num_cores, info.num_subcores
    except Exception:
        nc, ns = 2, 16
    nw = nc * ns
    b_per_w = b // nw
    mesh = plsc.VectorSubcoreMesh(core_axis_name="c", subcore_axis_name="s")

    @functools.partial(
        pl.kernel,
        mesh=mesh,
        out_type=jax.ShapeDtypeStruct((b, d), jnp.float32),
        scratch_types=[
            pltpu.VMEM((b_per_w,), jnp.int32),
            pltpu.VMEM((b_per_w, d), jnp.float32),
            pltpu.SemaphoreType.DMA,
        ],
    )
    def gather_kernel(table_hbm, idx_hbm, out_hbm, idx_v, rows_v, sem):
        wid = lax.axis_index("s") * nc + lax.axis_index("c")
        base = wid * b_per_w
        pltpu.sync_copy(idx_hbm.at[pl.ds(base, b_per_w)], idx_v)
        pltpu.async_copy(table_hbm.at[idx_v], rows_v, sem).wait()
        pltpu.sync_copy(rows_v, out_hbm.at[pl.ds(base, b_per_w)])

    return gather_kernel(features, targets)


def _tc_sumexp(inputs, features):
    b, d = inputs.shape
    n = features.shape[0]
    nstreams = 5
    chunk = 4000
    grid = n // (nstreams * chunk)

    def body(x_ref, *rest):
        f_refs = rest[:nstreams]
        acc_ref = rest[nstreams]
        xs_ref = rest[nstreams + 1]
        xsb_ref = rest[nstreams + 2]
        i = pl.program_id(0)

        @pl.when(i == 0)
        def _prologue():
            x = x_ref[...]
            nrm = jnp.sum(x * x, axis=1, keepdims=True)
            xs = x * (LOG2E / (jnp.sqrt(nrm) * TEMP))
            xs_ref[...] = xs
            xsb_ref[...] = xs.astype(jnp.bfloat16)
            acc_ref[...] = jnp.zeros_like(acc_ref)

        part = acc_ref[...]
        for f_ref in f_refs:
            s2 = lax.dot_general(
                xsb_ref[...], f_ref[...].astype(jnp.bfloat16),
                (((1,), (1,)), ((), ())),
                preferred_element_type=jnp.float32,
            )
            part = part + jnp.sum(jnp.exp2(s2), axis=1, keepdims=True)
        acc_ref[...] = part

    f_specs = [
        pl.BlockSpec((chunk, d), functools.partial(lambda k, i: (nstreams * i + k, 0), k))
        for k in range(nstreams)
    ]
    acc, xs = pl.pallas_call(
        body,
        grid=(grid,),
        in_specs=[pl.BlockSpec((b, d), lambda i: (0, 0))] + f_specs,
        out_specs=[
            pl.BlockSpec((b, 1), lambda i: (0, 0)),
            pl.BlockSpec((b, d), lambda i: (0, 0)),
        ],
        out_shape=[
            jax.ShapeDtypeStruct((b, 1), jnp.float32),
            jax.ShapeDtypeStruct((b, d), jnp.float32),
        ],
        scratch_shapes=[
            pltpu.VMEM((b, d), jnp.bfloat16),
        ],
    )(inputs, *([features] * nstreams))
    return acc, xs


def _tc_finish(acc, xs, tgt_rows):
    b, d = xs.shape

    def body(acc_ref, xs_ref, t_ref, out_ref):
        tgt = jnp.sum(xs_ref[...] * t_ref[...], axis=1, keepdims=True)
        nll = jnp.log(acc_ref[...]) - tgt * (1.0 / LOG2E)
        out_ref[0, 0] = jnp.mean(nll)

    out = pl.pallas_call(
        body,
        out_specs=pl.BlockSpec(memory_space=pltpu.SMEM),
        out_shape=jax.ShapeDtypeStruct((1, 1), jnp.float32),
    )(acc, xs, tgt_rows)
    return out[0, 0]


def kernel(inputs, targets, features):
    tgt_rows = _sc_gather_rows(features, targets)
    acc, xs = _tc_sumexp(inputs, features)
    return _tc_finish(acc, xs, tgt_rows)

# --- scband reference (transcript-rebuilt; emitter-appended) ---
"""Pipeline reference for scband-cluster-memory-37349035606124 (READ-ONLY COPY).

The authoritative reference and input builder live on the scoring server;
editing this copy changes nothing except your own understanding.
"""

import jax, jax.numpy as jnp
import numpy as np

NUM_SAMPLES = 100000
NUM_FEATURES = 128
BATCH = 1024
TEMP = 0.05


def setup_inputs(seed: int = 0) -> dict:
    key = jax.random.key(seed)
    k1, k2, k3 = jax.random.split(key, 3)
    inputs = jax.random.normal(k1, (BATCH, NUM_FEATURES), dtype=jnp.float32)
    targets = jax.random.randint(k2, (BATCH,), 0, NUM_SAMPLES)
    features = jax.random.normal(k3, (NUM_SAMPLES, NUM_FEATURES), dtype=jnp.float32)
    features = features / jnp.linalg.norm(features, axis=1, keepdims=True)
    return {"inputs": inputs, "targets": targets, "features": features}


def reference(inputs, targets, features):
    # ClusterMemory.forward: normalize inputs, similarity against memory bank
    # (CM.forward: inputs.mm(features.t())), scale by 1/temp, cross-entropy loss.
    x = inputs / jnp.linalg.norm(inputs, axis=1, keepdims=True)
    logits = x @ features.T
    logits = logits / TEMP
    logp = jax.nn.log_softmax(logits, axis=1)
    nll = -jnp.take_along_axis(logp, targets[:, None], axis=1).squeeze(1)
    loss = jnp.mean(nll)
    return loss

if __name__ == "__main__":
    import jax
    _d = setup_inputs()
    print(jax.jit(kernel)(*tuple(_d.values())))

</pallas_src>

<mosaic_0001>
#map = affine_map<(d0, d1) -> (0, 0)>
#map1 = affine_map<(d0, d1) -> (0)>
module attributes {stable_mosaic.version = 14 : i64} {
  func.func @gather_kernel(%arg0: i32, %arg1: i32, %arg2: memref<100000x128xf32, #tpu.memory_space<hbm>>, %arg3: memref<1024xi32, #tpu.memory_space<hbm>>, %arg4: memref<1024x128xf32, #tpu.memory_space<hbm>>, %arg5: memref<32xi32, #tpu.memory_space<vmem>>, %arg6: memref<32x128xf32, #tpu.memory_space<vmem>>, %arg7: memref<!tpu.dma_semaphore, #tpu.memory_space<semaphore_mem>>) attributes {dimension_semantics = [#tpu.dimension_semantics<core_parallel>, #tpu.dimension_semantics<subcore_parallel>], iteration_bounds = array<i64: 2, 16>, scalar_prefetch = 0 : i64, scratch_operands = 3 : i64, tpu.core_type = #tpu.core_type<sc_vector_subcore>, window_params = [{transform_indices = #map}, {transform_indices = #map1}, {transform_indices = #map}]} {
    %mul3A = arith.constant 2 : i32
    %mul3A_0 = arith.muli %arg1, %mul3A : i32
    %add3A = arith.addi %mul3A_0, %arg0 : i32
    %mul3A_1 = arith.constant 32 : i32
    %mul3A_2 = arith.muli %add3A, %mul3A_1 : i32
    "tpu.region"() ({
      %run_scoped3A = tpu.sem_alloc : memref<!tpu.dma_semaphore, #tpu.memory_space<semaphore_mem>>
      %dma_start3A_7 = tpu.memref_slice %arg3[%mul3A_2] : memref<1024xi32, #tpu.memory_space<hbm>> -> memref<32xi32, #tpu.memory_space<hbm>>
      %dma_start3A_8 = tpu.memref_slice %arg3[%mul3A_2] : memref<1024xi32, #tpu.memory_space<hbm>> -> memref<32xi32, #tpu.memory_space<hbm>>
      tpu.enqueue_dma source(%dma_start3A_8 : memref<32xi32, #tpu.memory_space<hbm>>) target(%arg5 : memref<32xi32, #tpu.memory_space<vmem>>) target_semaphore(%run_scoped3A : memref<!tpu.dma_semaphore, #tpu.memory_space<semaphore_mem>>)
      %dma_wait3A_9 = tpu.memref_slice %arg3[%mul3A_2] : memref<1024xi32, #tpu.memory_space<hbm>> -> memref<32xi32, #tpu.memory_space<hbm>>
      %dma_wait3A_10 = tpu.memref_slice %arg3[%mul3A_2] : memref<1024xi32, #tpu.memory_space<hbm>> -> memref<32xi32, #tpu.memory_space<hbm>>
      tpu.wait_dma2 semaphore(%run_scoped3A : memref<!tpu.dma_semaphore, #tpu.memory_space<semaphore_mem>>) src(%dma_wait3A_10 : memref<32xi32, #tpu.memory_space<hbm>>) dst(%arg5 : memref<32xi32, #tpu.memory_space<vmem>>)
      tpu.yield
    }) : () -> ()
    %dma_start3A = arith.constant 0 : i32
    %dma_start3A_3 = arith.constant 0 : i32
    %dma_start3A_4 = tpu.memref_slice %arg2[%dma_start3A, %dma_start3A_3] : memref<100000x128xf32, #tpu.memory_space<hbm>> -> memref<100000x128xf32, #tpu.memory_space<hbm>>
    tpu.enqueue_indirect_dma source(%dma_start3A_4 : memref<100000x128xf32, #tpu.memory_space<hbm>>) target(%arg6 : memref<32x128xf32, #tpu.memory_space<vmem>>) offsets(%arg5 : memref<32xi32, #tpu.memory_space<vmem>>) semaphore(%arg7 : memref<!tpu.dma_semaphore, #tpu.memory_space<semaphore_mem>>)
    %dma_wait3A = arith.constant 0 : i32
    %dma_wait3A_5 = arith.constant 0 : i32
    %dma_wait3A_6 = tpu.memref_slice %arg2[%dma_wait3A, %dma_wait3A_5] : memref<100000x128xf32, #tpu.memory_space<hbm>> -> memref<100000x128xf32, #tpu.memory_space<hbm>>
    tpu.wait_indirect_dma semaphore(%arg7 : memref<!tpu.dma_semaphore, #tpu.memory_space<semaphore_mem>>) src(%dma_wait3A_6 : memref<100000x128xf32, #tpu.memory_space<hbm>>) dst(%arg6 : memref<32x128xf32, #tpu.memory_space<vmem>>)
    "tpu.region"() ({
      %run_scoped3A = tpu.sem_alloc : memref<!tpu.dma_semaphore, #tpu.memory_space<semaphore_mem>>
      %dma_start3A_7 = arith.constant 0 : i32
      %dma_start3A_8 = tpu.memref_slice %arg4[%mul3A_2, %dma_start3A_7] : memref<1024x128xf32, #tpu.memory_space<hbm>> -> memref<32x128xf32, #tpu.memory_space<hbm>>
      %dma_start3A_9 = arith.constant 0 : i32
      %dma_start3A_10 = tpu.memref_slice %arg4[%mul3A_2, %dma_start3A_9] : memref<1024x128xf32, #tpu.memory_space<hbm>> -> memref<32x128xf32, #tpu.memory_space<hbm>>
      tpu.enqueue_dma source(%arg6 : memref<32x128xf32, #tpu.memory_space<vmem>>) target(%dma_start3A_10 : memref<32x128xf32, #tpu.memory_space<hbm>>) target_semaphore(%run_scoped3A : memref<!tpu.dma_semaphore, #tpu.memory_space<semaphore_mem>>)
      %dma_wait3A_11 = arith.constant 0 : i32
      %dma_wait3A_12 = tpu.memref_slice %arg4[%mul3A_2, %dma_wait3A_11] : memref<1024x128xf32, #tpu.memory_space<hbm>> -> memref<32x128xf32, #tpu.memory_space<hbm>>
      %dma_wait3A_13 = arith.constant 0 : i32
      %dma_wait3A_14 = tpu.memref_slice %arg4[%mul3A_2, %dma_wait3A_13] : memref<1024x128xf32, #tpu.memory_space<hbm>> -> memref<32x128xf32, #tpu.memory_space<hbm>>
      tpu.wait_dma2 semaphore(%run_scoped3A : memref<!tpu.dma_semaphore, #tpu.memory_space<semaphore_mem>>) src(%arg6 : memref<32x128xf32, #tpu.memory_space<vmem>>) dst(%dma_wait3A_14 : memref<32x128xf32, #tpu.memory_space<hbm>>)
      tpu.yield
    }) : () -> ()
    return
  }
}

module attributes {stable_mosaic.version = 14 : i64} {
  func.func @body(%arg0: memref<1024x1xf32, #tpu.memory_space<vmem>>, %arg1: memref<1024x128xf32, #tpu.memory_space<vmem>>, %arg2: memref<1024x128xf32, #tpu.memory_space<vmem>>, %arg3: memref<1x1xf32, #tpu.memory_space<smem>>) attributes {dimension_semantics = [], scalar_prefetch = 0 : i64, scratch_operands = 0 : i64, tpu.core_type = #tpu.core_type<tc>} {
    %get3A = arith.constant 0 : index
    %get3A_0 = arith.constant 0 : index
    %get3A_1 = vector.load %arg1[%get3A, %get3A_0] : memref<1024x128xf32, #tpu.memory_space<vmem>>, vector<1024x128xf32>
    %get3A_2 = arith.constant 0 : index
    %get3A_3 = arith.constant 0 : index
    %get3A_4 = vector.load %arg2[%get3A_2, %get3A_3] : memref<1024x128xf32, #tpu.memory_space<vmem>>, vector<1024x128xf32>
    %mul3A = arith.mulf %get3A_1, %get3A_4 : vector<1024x128xf32>
    %reduce_sum3A = arith.constant dense<0.000000e+00> : vector<1024xf32>
    %reduce_sum3A_5 = vector.multi_reduction <add>, %mul3A, %reduce_sum3A [1] : vector<1024x128xf32> to vector<1024xf32>
    %broadcast_in_dim3A = vector.shape_cast %reduce_sum3A_5 : vector<1024xf32> to vector<1024x1xf32>
    %get3A_6 = arith.constant 0 : index
    %get3A_7 = arith.constant 0 : index
    %get3A_8 = vector.load %arg0[%get3A_6, %get3A_7] : memref<1024x1xf32, #tpu.memory_space<vmem>>, vector<1024x1xf32>
    %log3A = math.log %get3A_8 : vector<1024x1xf32>
    %mul3A_9 = arith.constant 0.693147182 : f32
    %mul3A_10 = vector.broadcast %mul3A_9 : f32 to vector<1024x1xf32>
    %mul3A_11 = arith.mulf %broadcast_in_dim3A, %mul3A_10 : vector<1024x1xf32>
    %sub3A = arith.subf %log3A, %mul3A_11 : vector<1024x1xf32>
    %reduce_sum3A_12 = vector.shape_cast %sub3A : vector<1024x1xf32> to vector<1x1024x1xf32>
    %reduce_sum3A_13 = arith.constant dense<0.000000e+00> : vector<1xf32>
    %reduce_sum3A_14 = vector.multi_reduction <add>, %reduce_sum3A_12, %reduce_sum3A_13 [1, 2] : vector<1x1024x1xf32> to vector<1xf32>
    %reduce_sum3A_15 = vector.shape_cast %reduce_sum3A_14 : vector<1xf32> to vector<1x1x1xf32>
    %reduce_sum3A_16 = vector.extract %reduce_sum3A_15[0, 0, 0] : f32 from vector<1x1x1xf32>
    %div3A = arith.constant 1.024000e+03 : f32
    %div3A_17 = arith.divf %reduce_sum3A_16, %div3A : f32
    %swap3A = arith.constant 0 : index
    %swap3A_18 = arith.constant 0 : index
    %swap3A_19 = memref.load %arg3[%swap3A, %swap3A_18] : memref<1x1xf32, #tpu.memory_space<smem>>
    memref.store %div3A_17, %arg3[%swap3A, %swap3A_18] : memref<1x1xf32, #tpu.memory_space<smem>>
    return
  }
}

module attributes {stable_mosaic.version = 14 : i64} {
  func.func @body(%arg0: i32, %arg1: memref<1024x128xf32, #tpu.memory_space<vmem>>, %arg2: memref<4000x128xf32, #tpu.memory_space<vmem>>, %arg3: memref<4000x128xf32, #tpu.memory_space<vmem>>, %arg4: memref<4000x128xf32, #tpu.memory_space<vmem>>, %arg5: memref<4000x128xf32, #tpu.memory_space<vmem>>, %arg6: memref<4000x128xf32, #tpu.memory_space<vmem>>, %arg7: memref<1024x1xf32, #tpu.memory_space<vmem>>, %arg8: memref<1024x128xf32, #tpu.memory_space<vmem>>, %arg9: memref<1024x128xbf16, #tpu.memory_space<vmem>>) attributes {dimension_semantics = [#tpu.dimension_semantics<arbitrary>], iteration_bounds = array<i64: 5>, scalar_prefetch = 0 : i64, scratch_operands = 1 : i64, tpu.core_type = #tpu.core_type<tc>, window_params = [{pipeline_mode = #tpu.pipeline_mode<synchronous>, transform_indices = @transform_0, window_bounds = array<i64: 1024, 128>}, {transform_indices = @transform_1, window_bounds = array<i64: 4000, 128>}, {transform_indices = @transform_2, window_bounds = array<i64: 4000, 128>}, {transform_indices = @transform_3, window_bounds = array<i64: 4000, 128>}, {transform_indices = @transform_4, window_bounds = array<i64: 4000, 128>}, {transform_indices = @transform_5, window_bounds = array<i64: 4000, 128>}, {pipeline_mode = #tpu.pipeline_mode<synchronous>, transform_indices = @transform_6, window_bounds = array<i64: 1024, 1>}, {pipeline_mode = #tpu.pipeline_mode<synchronous>, transform_indices = @transform_7, window_bounds = array<i64: 1024, 128>}]} {
    %eq3A = arith.constant 0 : i32
    %eq3A_0 = arith.cmpi eq, %arg0, %eq3A : i32
    %convert_element_type3A = arith.extui %eq3A_0 : i1 to i32
    %cond3A = arith.constant 0 : i32
    %cond3A_1 = arith.cmpi ne, %convert_element_type3A, %cond3A : i32
    scf.if %cond3A_1 {
      %get3A_71 = arith.constant 0 : index
      %get3A_72 = arith.constant 0 : index
      %get3A_73 = vector.load %arg1[%get3A_71, %get3A_72] : memref<1024x128xf32, #tpu.memory_space<vmem>>, vector<1024x128xf32>
      %mul3A = arith.mulf %get3A_73, %get3A_73 : vector<1024x128xf32>
      %reduce_sum3A_74 = arith.constant dense<0.000000e+00> : vector<1024xf32>
      %reduce_sum3A_75 = vector.multi_reduction <add>, %mul3A, %reduce_sum3A_74 [1] : vector<1024x128xf32> to vector<1024xf32>
      %broadcast_in_dim3A_76 = vector.shape_cast %reduce_sum3A_75 : vector<1024xf32> to vector<1024x1xf32>
      %sqrt3A = math.sqrt %broadcast_in_dim3A_76 : vector<1024x1xf32>
      %mul3A_77 = arith.constant 5.000000e-02 : f32
      %mul3A_78 = vector.broadcast %mul3A_77 : f32 to vector<1024x1xf32>
      %mul3A_79 = arith.mulf %sqrt3A, %mul3A_78 : vector<1024x1xf32>
      %div3A = arith.constant 1.44269502 : f32
      %div3A_80 = vector.broadcast %div3A : f32 to vector<1024x1xf32>
      %div3A_81 = arith.divf %div3A_80, %mul3A_79 : vector<1024x1xf32>
      %mul3A_82 = vector.broadcast %div3A_81 : vector<1024x1xf32> to vector<1024x128xf32>
      %mul3A_83 = arith.mulf %get3A_73, %mul3A_82 : vector<1024x128xf32>
      %swap3A_84 = arith.constant 0 : index
      %swap3A_85 = arith.constant 0 : index
      %swap3A_86 = vector.load %arg8[%swap3A_84, %swap3A_85] : memref<1024x128xf32, #tpu.memory_space<vmem>>, vector<1024x128xf32>
      tpu.vector_store %arg8[%swap3A_84, %swap3A_85], %mul3A_83 {strides = array<i32>} : memref<1024x128xf32, #tpu.memory_space<vmem>>, vector<1024x128xf32>,
      %convert_element_type3A_87 = arith.truncf %mul3A_83 : vector<1024x128xf32> to vector<1024x128xbf16>
      %swap3A_88 = arith.constant 0 : index
      %swap3A_89 = arith.constant 0 : index
      %swap3A_90 = vector.load %arg9[%swap3A_88, %swap3A_89] : memref<1024x128xbf16, #tpu.memory_space<vmem>>, vector<1024x128xbf16>
      tpu.vector_store %arg9[%swap3A_88, %swap3A_89], %convert_element_type3A_87 {strides = array<i32>} : memref<1024x128xbf16, #tpu.memory_space<vmem>>, vector<1024x128xbf16>,
      %broadcast_in_dim3A_91 = arith.constant 0.000000e+00 : f32
      %broadcast_in_dim3A_92 = vector.broadcast %broadcast_in_dim3A_91 : f32 to vector<1024x1xf32>
      %swap3A_93 = arith.constant 0 : index
      %swap3A_94 = arith.constant 0 : index
      %swap3A_95 = vector.load %arg7[%swap3A_93, %swap3A_94] : memref<1024x1xf32, #tpu.memory_space<vmem>>, vector<1024x1xf32>
      tpu.vector_store %arg7[%swap3A_93, %swap3A_94], %broadcast_in_dim3A_92 {strides = array<i32>} : memref<1024x1xf32, #tpu.memory_space<vmem>>, vector<1024x1xf32>,
    } else {
    }
    %get3A = arith.constant 0 : index
    %get3A_2 = arith.constant 0 : index
    %get3A_3 = vector.load %arg7[%get3A, %get3A_2] : memref<1024x1xf32, #tpu.memory_space<vmem>>, vector<1024x1xf32>
    %get3A_4 = arith.constant 0 : index
    %get3A_5 = arith.constant 0 : index
    %get3A_6 = vector.load %arg9[%get3A_4, %get3A_5] : memref<1024x128xbf16, #tpu.memory_space<vmem>>, vector<1024x128xbf16>
    %get3A_7 = arith.constant 0 : index
    %get3A_8 = arith.constant 0 : index
    %get3A_9 = vector.load %arg2[%get3A_7, %get3A_8] : memref<4000x128xf32, #tpu.memory_space<vmem>>, vector<4000x128xf32>
    %convert_element_type3A_10 = arith.truncf %get3A_9 : vector<4000x128xf32> to vector<4000x128xbf16>
    %dot_general3A = arith.constant dense<0.000000e+00> : vector<1024x4000xf32>
    %dot_general3A_11 = tpu.matmul %get3A_6, %convert_element_type3A_10, %dot_general3A {dimension_numbers = #tpu.dot_dimension_numbers<[1], [1], [0], [0], [0, 0, 1, 0], [], []>, transpose_lhs_hint = false} : vector<1024x128xbf16>, vector<4000x128xbf16>, vector<1024x4000xf32> -> vector<1024x4000xf32>
    %exp23A = math.exp2 %dot_general3A_11 : vector<1024x4000xf32>
    %reduce_sum3A = arith.constant dense<0.000000e+00> : vector<1024xf32>
    %reduce_sum3A_12 = vector.multi_reduction <add>, %exp23A, %reduce_sum3A [1] : vector<1024x4000xf32> to vector<1024xf32>
    %broadcast_in_dim3A = vector.shape_cast %reduce_sum3A_12 : vector<1024xf32> to vector<1024x1xf32>
    %add3A = arith.addf %get3A_3, %broadcast_in_dim3A : vector<1024x1xf32>
    %get3A_13 = arith.constant 0 : index
    %get3A_14 = arith.constant 0 : index
    %get3A_15 = vector.load %arg9[%get3A_13, %get3A_14] : memref<1024x128xbf16, #tpu.memory_space<vmem>>, vector<1024x128xbf16>
    %get3A_16 = arith.constant 0 : index
    %get3A_17 = arith.constant 0 : index
    %get3A_18 = vector.load %arg3[%get3A_16, %get3A_17] : memref<4000x128xf32, #tpu.memory_space<vmem>>, vector<4000x128xf32>
    %convert_element_type3A_19 = arith.truncf %get3A_18 : vector<4000x128xf32> to vector<4000x128xbf16>
    %dot_general3A_20 = arith.constant dense<0.000000e+00> : vector<1024x4000xf32>
    %dot_general3A_21 = tpu.matmul %get3A_15, %convert_element_type3A_19, %dot_general3A_20 {dimension_numbers = #tpu.dot_dimension_numbers<[1], [1], [0], [0], [0, 0, 1, 0], [], []>, transpose_lhs_hint = false} : vector<1024x128xbf16>, vector<4000x128xbf16>, vector<1024x4000xf32> -> vector<1024x4000xf32>
    %exp23A_22 = math.exp2 %dot_general3A_21 : vector<1024x4000xf32>
    %reduce_sum3A_23 = arith.constant dense<0.000000e+00> : vector<1024xf32>
    %reduce_sum3A_24 = vector.multi_reduction <add>, %exp23A_22, %reduce_sum3A_23 [1] : vector<1024x4000xf32> to vector<1024xf32>
    %broadcast_in_dim3A_25 = vector.shape_cast %reduce_sum3A_24 : vector<1024xf32> to vector<1024x1xf32>
    %add3A_26 = arith.addf %add3A, %broadcast_in_dim3A_25 : vector<1024x1xf32>
    %get3A_27 = arith.constant 0 : index
    %get3A_28 = arith.constant 0 : index
    %get3A_29 = vector.load %arg9[%get3A_27, %get3A_28] : memref<1024x128xbf16, #tpu.memory_space<vmem>>, vector<1024x128xbf16>
    %get3A_30 = arith.constant 0 : index
    %get3A_31 = arith.constant 0 : index
    %get3A_32 = vector.load %arg4[%get3A_30, %get3A_31] : memref<4000x128xf32, #tpu.memory_space<vmem>>, vector<4000x128xf32>
    %convert_element_type3A_33 = arith.truncf %get3A_32 : vector<4000x128xf32> to vector<4000x128xbf16>
    %dot_general3A_34 = arith.constant dense<0.000000e+00> : vector<1024x4000xf32>
    %dot_general3A_35 = tpu.matmul %get3A_29, %convert_element_type3A_33, %dot_general3A_34 {dimension_numbers = #tpu.dot_dimension_numbers<[1], [1], [0], [0], [0, 0, 1, 0], [], []>, transpose_lhs_hint = false} : vector<1024x128xbf16>, vector<4000x128xbf16>, vector<1024x4000xf32> -> vector<1024x4000xf32>
    %exp23A_36 = math.exp2 %dot_general3A_35 : vector<1024x4000xf32>
    %reduce_sum3A_37 = arith.constant dense<0.000000e+00> : vector<1024xf32>
    %reduce_sum3A_38 = vector.multi_reduction <add>, %exp23A_36, %reduce_sum3A_37 [1] : vector<1024x4000xf32> to vector<1024xf32>
    %broadcast_in_dim3A_39 = vector.shape_cast %reduce_sum3A_38 : vector<1024xf32> to vector<1024x1xf32>
    %add3A_40 = arith.addf %add3A_26, %broadcast_in_dim3A_39 : vector<1024x1xf32>
    %get3A_41 = arith.constant 0 : index
    %get3A_42 = arith.constant 0 : index
    %get3A_43 = vector.load %arg9[%get3A_41, %get3A_42] : memref<1024x128xbf16, #tpu.memory_space<vmem>>, vector<1024x128xbf16>
    %get3A_44 = arith.constant 0 : index
    %get3A_45 = arith.constant 0 : index
    %get3A_46 = vector.load %arg5[%get3A_44, %get3A_45] : memref<4000x128xf32, #tpu.memory_space<vmem>>, vector<4000x128xf32>
    %convert_element_type3A_47 = arith.truncf %get3A_46 : vector<4000x128xf32> to vector<4000x128xbf16>
    %dot_general3A_48 = arith.constant dense<0.000000e+00> : vector<1024x4000xf32>
    %dot_general3A_49 = tpu.matmul %get3A_43, %convert_element_type3A_47, %dot_general3A_48 {dimension_numbers = #tpu.dot_dimension_numbers<[1], [1], [0], [0], [0, 0, 1, 0], [], []>, transpose_lhs_hint = false} : vector<1024x128xbf16>, vector<4000x128xbf16>, vector<1024x4000xf32> -> vector<1024x4000xf32>
    %exp23A_50 = math.exp2 %dot_general3A_49 : vector<1024x4000xf32>
    %reduce_sum3A_51 = arith.constant dense<0.000000e+00> : vector<1024xf32>
    %reduce_sum3A_52 = vector.multi_reduction <add>, %exp23A_50, %reduce_sum3A_51 [1] : vector<1024x4000xf32> to vector<1024xf32>
    %broadcast_in_dim3A_53 = vector.shape_cast %reduce_sum3A_52 : vector<1024xf32> to vector<1024x1xf32>
    %add3A_54 = arith.addf %add3A_40, %broadcast_in_dim3A_53 : vector<1024x1xf32>
    %get3A_55 = arith.constant 0 : index
    %get3A_56 = arith.constant 0 : index
    %get3A_57 = vector.load %arg9[%get3A_55, %get3A_56] : memref<1024x128xbf16, #tpu.memory_space<vmem>>, vector<1024x128xbf16>
    %get3A_58 = arith.constant 0 : index
    %get3A_59 = arith.constant 0 : index
    %get3A_60 = vector.load %arg6[%get3A_58, %get3A_59] : memref<4000x128xf32, #tpu.memory_space<vmem>>, vector<4000x128xf32>
    %convert_element_type3A_61 = arith.truncf %get3A_60 : vector<4000x128xf32> to vector<4000x128xbf16>
    %dot_general3A_62 = arith.constant dense<0.000000e+00> : vector<1024x4000xf32>
    %dot_general3A_63 = tpu.matmul %get3A_57, %convert_element_type3A_61, %dot_general3A_62 {dimension_numbers = #tpu.dot_dimension_numbers<[1], [1], [0], [0], [0, 0, 1, 0], [], []>, transpose_lhs_hint = false} : vector<1024x128xbf16>, vector<4000x128xbf16>, vector<1024x4000xf32> -> vector<1024x4000xf32>
    %exp23A_64 = math.exp2 %dot_general3A_63 : vector<1024x4000xf32>
    %reduce_sum3A_65 = arith.constant dense<0.000000e+00> : vector<1024xf32>
    %reduce_sum3A_66 = vector.multi_reduction <add>, %exp23A_64, %reduce_sum3A_65 [1] : vector<1024x4000xf32> to vector<1024xf32>
    %broadcast_in_dim3A_67 = vector.shape_cast %reduce_sum3A_66 : vector<1024xf32> to vector<1024x1xf32>
    %add3A_68 = arith.addf %add3A_54, %broadcast_in_dim3A_67 : vector<1024x1xf32>
    %swap3A = arith.constant 0 : index
    %swap3A_69 = arith.constant 0 : index
    %swap3A_70 = vector.load %arg7[%swap3A, %swap3A_69] : memref<1024x1xf32, #tpu.memory_space<vmem>>, vector<1024x1xf32>
    tpu.vector_store %arg7[%swap3A, %swap3A_69], %add3A_68 {strides = array<i32>} : memref<1024x1xf32, #tpu.memory_space<vmem>>, vector<1024x1xf32>,
    return
  }
  func.func @transform_0(%arg0: i32) -> (i32, i32) {
    %c0_i32 = arith.constant 0 : i32
    %c0_i32_0 = arith.constant 0 : i32
    %c0_i32_1 = arith.constant 0 : i32
    return %c0_i32, %c0_i32_0 : i32, i32
  }
  func.func @transform_1(%arg0: i32) -> (i32, i32) {
    %mul3A = arith.constant 5 : i32
    %mul3A_0 = arith.muli %mul3A, %arg0 : i32
    %add3A = arith.constant 0 : i32
    %add3A_1 = arith.addi %mul3A_0, %add3A : i32
    %c0_i32 = arith.constant 0 : i32
    %c0_i32_2 = arith.constant 0 : i32
    return %add3A_1, %c0_i32 : i32, i32
  }
  func.func @transform_2(%arg0: i32) -> (i32, i32) {
    %mul3A = arith.constant 5 : i32
    %mul3A_0 = arith.muli %mul3A, %arg0 : i32
    %add3A = arith.constant 1 : i32
    %add3A_1 = arith.addi %mul3A_0, %add3A : i32
    %c0_i32 = arith.constant 0 : i32
    %c0_i32_2 = arith.constant 0 : i32
    return %add3A_1, %c0_i32 : i32, i32
  }
  func.func @transform_3(%arg0: i32) -> (i32, i32) {
    %mul3A = arith.constant 5 : i32
    %mul3A_0 = arith.muli %mul3A, %arg0 : i32
    %add3A = arith.constant 2 : i32
    %add3A_1 = arith.addi %mul3A_0, %add3A : i32
    %c0_i32 = arith.constant 0 : i32
    %c0_i32_2 = arith.constant 0 : i32
    return %add3A_1, %c0_i32 : i32, i32
  }
  func.func @transform_4(%arg0: i32) -> (i32, i32) {
    %mul3A = arith.constant 5 : i32
    %mul3A_0 = arith.muli %mul3A, %arg0 : i32
    %add3A = arith.constant 3 : i32
    %add3A_1 = arith.addi %mul3A_0, %add3A : i32
    %c0_i32 = arith.constant 0 : i32
    %c0_i32_2 = arith.constant 0 : i32
    return %add3A_1, %c0_i32 : i32, i32
  }
  func.func @transform_5(%arg0: i32) -> (i32, i32) {
    %mul3A = arith.constant 5 : i32
    %mul3A_0 = arith.muli %mul3A, %arg0 : i32
    %add3A = arith.constant 4 : i32
    %add3A_1 = arith.addi %mul3A_0, %add3A : i32
    %c0_i32 = arith.constant 0 : i32
    %c0_i32_2 = arith.constant 0 : i32
    return %add3A_1, %c0_i32 : i32, i32
  }
  func.func @transform_6(%arg0: i32) -> (i32, i32) {
    %c0_i32 = arith.constant 0 : i32
    %c0_i32_0 = arith.constant 0 : i32
    %c0_i32_1 = arith.constant 0 : i32
    return %c0_i32, %c0_i32_0 : i32, i32
  }
  func.func @transform_7(%arg0: i32) -> (i32, i32) {
    %c0_i32 = arith.constant 0 : i32
    %c0_i32_0 = arith.constant 0 : i32
    %c0_i32_1 = arith.constant 0 : i32
    return %c0_i32, %c0_i32_0 : i32, i32
  }
}

</mosaic_0001>

<sc_bundles>
// kernel: kernel.5.cloned.1.call-start
scs
__scs_entry_jumppad:
0x0: {  	(pc) =	sbr.rel $0x88, $3  }
0x1: {  	(tag) =	ssettag $0x0;
	lr =	simm.s32 $0x1  }
0x2: {  	[smem:$0x3F9E] =	sst lr;
	_ =	strace $0xD0000000  }
0x3: {  	_ = 	snop  }
0x4: {  	_ = 	snop  }
0x5: {  	_ = 	snop  }
0x6: {  	_ = 	snop  }
0x7: {  	_ = 	snop  }
__scs_overlays_trampoline_lowered:
0x8: {  	[smem:$0x3FAD] =	sst s0  }
0x9: {  	[smem:$0x3FAE] =	sst s1  }
0xa: {  	[smem:$0x3FAF] =	sst s2  }
0xb: {  	[smem:$0x3FB0] =	sst s3  }
0xc: {  	[smem:$0x3FB1] =	sst s4  }
0xd: {  	[smem:$0x3FB2] =	sst s5  }
0xe: {  	[smem:$0x3FB3] =	sst s6  }
0xf: {  	[smem:$0x3FB4] =	sst s7  }
0x10: {  	[smem:$0x3FB5] =	sst s8  }
0x11: {  	[smem:$0x3FB6] =	sst s9;
	s0 =	simm.s32 @!p0 $0x0  }
0x12: {  	s1 =	sld [smem:$0x3F9C];
	s0 =	simm.s32 @p0 $0x1  }
0x13: {  	[smem:$0x3FB7] =	sst s0;
	s0 =	simm.s32 @!p1 $0x0  }
0x14: {  	s2 =	sld [smem:$0x3F9B];
	s0 =	simm.s32 @p1 $0x1  }
0x15: {  	[smem:$0x3FB8] =	sst s0;
	s0 =	simm.s32 @!p2 $0x0  }
0x16: {  	s3 =	sld [smem:$0x3FDB];
	s0 =	simm.s32 @p2 $0x1  }
0x17: {  	s4 =	simm.s32 $0x1BF5;
	[smem:$0x3FBA] =	sst s0  }
0x18: {  	s0 =	sld [smem:$0x3F9D];
	_ =	swait.ge [sflag:s4], $0x0  }
0x19: {  	s7 =	sld [smem:$0x3F9E]  }
0x1a: {  	s8 =	sadd.s32 $0xFFFFE003, lr  }
0x1b: {  	s9 =	sadd.s32 $0xFFFFFEF7, lr;
	s5 =	simm.s32 $0xFFFFFFFF;
	p2 =	slt.u32 s8, $0xFFFFF086  }
0x1c: {  	p1 =	slt.u32 s9, $0xF7A;
	s5 =	simm.s32 @!p2 $0x0  }
0x1d: {  	s5 =	simm.s32 @p1 $0x1;
	p0 =	seq.s32 s7, s2  }
0x1e: {  	s7 =	smul.u32 @!p0 $0xF7A, s2;
	p2 =	seq.s32 @!p0 s5, $0x0  }
0x1f: {  	s9 =	smul.u32 $0xF7A, s1;
	s8 =	simm.s32 @!p0 $0x1BF5;
	p2 =	por !p2, p0  }
0x20: {  	[sflag:s8] =	ssyncset.s32 @!p0 $0xFFFFF086;
	s6 =	sadd.s32 @!p0 s3, s7;
	s7 =	simm.s32 @!p0 $0x108  }
0x21: {  	s3 =	sadd.s32 s3, s9;
	s6 =	sadd.s32 @!p0 $0x88, s6;
	s7 =	simm.s32 @p2 $0x1082  }
0x22: {  	[simem:s7], [sflag:s8] =	dma.local @!p0 [hbm:s6], $0xF7A  }
0x23: {  	s9 =	sor.u32 $0xD0000000, s2;
	s6 =	simm.s32 $0x108;
	_ =	swait.ge @!p0 [sflag:s8], $0x0  }
0x24: {  	s3 =	sadd.s32 $0x88, s3;
	s6 =	simm.s32 @!p1 $0x1082;
	[sflag:s4] =	ssyncset.s32 $0xFFFFF086  }
0x25: {  	[simem:s6], [sflag:s4] =	dma.local [hbm:s3], $0xF7A  }
0x26: {  	[smem:$0x3F9E] =	sst s1;
	(tag) =	ssettag s2;
	_ =	strace s9  }
0x27: {  	s1 =	sld [smem:$0x3FAE]  }
0x28: {  	s2 =	sld [smem:$0x3FAF]  }
0x29: {  	s4 =	sld [smem:$0x3FB1]  }
0x2a: {  	p0 =	seq.s32 s5, $0x0;
	s5 =	sld [smem:$0x3FB2]  }
0x2b: {  	s6 =	sld [smem:$0x3FB3]  }
0x2c: {  	s7 =	sld [smem:$0x3FB4]  }
0x2d: {  	s3 =	simm.s32 $0x108;
	s8 =	sld [smem:$0x3FB5]  }
0x2e: {  	s3 =	simm.s32 @!p0 $0x1082;
	s9 =	sld [smem:$0x3FB6]  }
0x2f: {  	lr =	sadd.s32 s0, s3;
	s0 =	sld [smem:$0x3FAD]  }
0x30: {  	s3 =	sld [smem:$0x3FB0]  }
0x31: {  	[smem:$0x3FB9] =	sst s10  }
0x32: {  	s10 =	sld [smem:$0x3FB7];
	_ =	sdelay $0x3  }
0x33: {  	p0 =	seq.s32 s10, $0x1;
	s10 =	sld [smem:$0x3FB9];
	_ =	sdelay $0x3  }
0x34: {  	[smem:$0x3FB9] =	sst s10  }
0x35: {  	s10 =	sld [smem:$0x3FB8];
	_ =	sdelay $0x3  }
0x36: {  	p1 =	seq.s32 s10, $0x1;
	s10 =	sld [smem:$0x3FB9];
	_ =	sdelay $0x3  }
0x37: {  	[smem:$0x3FB9] =	sst s10  }
0x38: {  	s10 =	sld [smem:$0x3FBA]  }
0x39: {  	_ = 	snop;
	(pc) =	sbr.ind lr, $3  }
0x3a: {  	_ = 	snop  }
0x3b: {  	_ = 	snop  }
0x3c: {  	p2 =	seq.s32 s10, $0x1;
	s10 =	sld [smem:$0x3FB9]  }
0x3d: {  	_ =	shalt  }
0x3e: {  	_ =	shalt  }
0x3f: {  	_ =	shalt  }
0x40: {  	_ =	shalt  }
0x41: {  	_ =	shalt  }
0x42: {  	_ =	shalt  }
0x43: {  	_ =	shalt  }
0x44: {  	_ =	shalt  }
0x45: {  	_ =	shalt  }
0x46: {  	_ =	shalt  }
0x47: {  	_ =	shalt  }
0x48: {  	_ =	shalt  }
0x49: {  	_ =	shalt  }
0x4a: {  	_ =	shalt  }
0x4b: {  	_ =	shalt  }
0x4c: {  	_ =	shalt  }
0x4d: {  	_ =	shalt  }
0x4e: {  	_ =	shalt  }
0x4f: {  	_ =	shalt  }
0x50: {  	_ =	shalt  }
0x51: {  	_ =	shalt  }
0x52: {  	_ =	shalt  }
0x53: {  	_ =	shalt  }
0x54: {  	_ =	shalt  }
0x55: {  	_ =	shalt  }
0x56: {  	_ =	shalt  }
0x57: {  	_ =	shalt  }
0x58: {  	_ =	shalt  }
0x59: {  	_ =	shalt  }
0x5a: {  	_ =	shalt  }
0x5b: {  	_ =	shalt  }
0x5c: {  	_ =	shalt  }
0x5d: {  	_ =	shalt  }
0x5e: {  	_ =	shalt  }
0x5f: {  	_ =	shalt  }
0x60: {  	_ =	shalt  }
0x61: {  	_ =	shalt  }
0x62: {  	_ =	shalt  }
0x63: {  	_ =	shalt  }
0x64: {  	_ =	shalt  }
0x65: {  	_ =	shalt  }
0x66: {  	_ =	shalt  }
0x67: {  	_ =	shalt  }
0x68: {  	_ =	shalt  }
0x69: {  	_ =	shalt  }
0x6a: {  	_ =	shalt  }
0x6b: {  	_ =	shalt  }
0x6c: {  	_ =	shalt  }
0x6d: {  	_ =	shalt  }
0x6e: {  	_ =	shalt  }
0x6f: {  	_ =	shalt  }
0x70: {  	_ =	shalt  }
0x71: {  	_ =	shalt  }
0x72: {  	_ =	shalt  }
0x73: {  	_ =	shalt  }
0x74: {  	_ =	shalt  }
0x75: {  	_ =	shalt  }
0x76: {  	_ =	shalt  }
0x77: {  	_ =	shalt  }
0x78: {  	_ =	shalt  }
0x79: {  	_ =	shalt  }
0x7a: {  	_ =	shalt  }
0x7b: {  	_ =	shalt  }
0x7c: {  	_ =	shalt  }
0x7d: {  	_ =	shalt  }
0x7e: {  	_ =	shalt  }
0x7f: {  	_ =	shalt  }
0x80: {  	_ =	shalt  }
0x81: {  	_ =	shalt  }
0x82: {  	_ =	shalt  }
0x83: {  	_ =	shalt  }
0x84: {  	_ =	shalt  }
0x85: {  	_ =	shalt  }
0x86: {  	_ =	shalt  }
0x87: {  	_ =	shalt  }
.Lfunc_end0:
.L_simem_size_0:
called_computation_lowered:
.L_overlay_start_0:
0x88: {  	s2 =	sld [smem:$0x3FD9]  }
0x89: {  	s3 =	sld [smem:$0x3FFE];
	_ =	sdelay $0x1  }
0x8a: {  	s1 =	srdreg.scid  }
0x8b: {  	s0 =	sand.u32 $0x1, s1  }
0x8c: {  	s17 =	sshll.u32 s0, $0xA;
	s2 =	sadd.s32 s3, s2  }
0x8d: {  	s2 =	sadd.s32 s2, s17  }
0x8e: {  	[smem:$0x3FC5] =	sst s2  }
0x8f: {  	_ = 	snop  }
0x90: {  	s2 =	sld [smem:$0x3FC8]  }
0x91: {  	s18 =	sld [smem:$0x3FC7];
	(tm) =	ssettm $0x1  }
0x92: {  	s4 =	sld [smem:$0x3FFB];
	_ =	sdelay $0x3  }
0x93: {  	_ =	strace s4  }
0x94: {  	s4 =	sld [smem:$0x3FFC];
	_ =	sdelay $0x3  }
0x95: {  	_ =	strace s4  }
0x96: {  	s4 =	sld [smem:$0x3FFD];
	_ =	sdelay $0x3  }
0x97: {  	_ =	strace s4  }
0x98: {  	_ =	strace $0x8FFFFFFF  }
0x99: {  	s19 =	sld [smem:$0x3FDB];
	_ =	sdelay $0x1  }
0x9a: {  	s5 =	simm.s32 $_scs_section_size  }
0x9b: {  	s6 =	simm.s32 $_size__tile_overlayer_lowered;
	s7 =	simm.s32 $_tile_overlayer_lowered  }
0x9c: {  	s22 =	simm.s32 $0x1BFF;
	s21 =	sshll.u32 s7, $0x1;
	s4 =	sadd.s32 s5, s19  }
0x9d: {  	s8 =	simm.s32 $0x0;
	s20 =	sshll.u32 s6, $0x1;
	s6 =	sadd.s32 s21, s4  }
0x9e: {  	[timem:s8], [sflag:s22] =	dma.local [hbm:s6], s20  }
0x9f: {  	_ =	swait.ge [sflag:s22], s20  }
0xa0: {  	s5 =	ssub.s32 $0x0, s20;
	[sflag:s22] =	ssyncset.done $0x0  }
0xa1: {  	[sflag:s22] =	ssyncadd.s32 s5;
	_ =	sdelay $0x1  }
0xa2: {  	s23 =	simm.s32 $0x1B8B  }
0xa3: {  	_ =	swait.ge [sflag:s23], $0x1  }
0xa4: {  	[sflag:s23] =	ssyncset.done $0x0  }
0xa5: {  	s25 =	simm.s32 $0x1B8E;
	s24 =	sld [smem:$0x3FFE];
	[sflag:s23] =	ssyncadd.s32 $0xFFFFFFFF  }
0xa6: {  	s26 =	simm.s32 $execute0_lowered;
	[smem:$0x3FD2] =	sst s25  }
0xa7: {  	s6 =	sshll.u32 s26, $0x1;
	_ =	strace $0x80000046;
	[dreg:$0x1] =	wrdreg $0xFFFFFFFF  }
0xa8: {  	s28 =	simm.s32 $_size_execute0_lowered;
	s4 =	sadd.s32 s4, s6;
	[dreg:$0x0] =	wrdreg $0x0  }
0xa9: {  	s6 =	sshll.u32 s28, $0x1;
	[dreg:$0x2] =	wrdreg s4  }
0xaa: {  	[dreg:$0x3] =	wrdreg s6  }
0xab: {  	[dreg:$0x4] =	wrdreg $0xC0  }
0xac: {  	_ =	task [dreg:s8], $0x5FFFF  }
0xad: {  	[dreg:$0x1] =	wrdreg $0xFFFFFFFF  }
0xae: {  	[dreg:$0x0] =	wrdreg $0x60  }
0xaf: {  	[dreg:$0x2] =	wrdreg s18  }
0xb0: {  	[dreg:$0x3] =	wrdreg s2  }
0xb1: {  	[dreg:$0x4] =	wrdreg s24  }
0xb2: {  	[dreg:$0x5] =	wrdreg $0x9  }
0xb3: {  	_ =	task.clear_ibuf [dreg:s8], $0x6FFFF;
	_ =	strace $0x90000046  }
0xb4: {  	s29 =	simm.s32 $0x9;
	_ =	strace $0x80000048  }
0xb5: {  	_ =	swait.ge [sflag:s29], $0x1  }
0xb6: {  	[sflag:s29] =	ssyncadd.s32 $0xFFFFFFFF  }
0xb7: {  	_ =	strace $0x90000048  }
0xb8: {  	_ =	sfence  }
0xb9: {  	s30 =	sld [smem:$0x0];
	_ =	sdelay $0x2  }
0xba: {  	s31 =	sshll.u32 s1, $0xD;
	s1 =	sshrl.u32 s1, $0x2  }
0xbb: {  	s3 =	sand.u32 $0x4000, s31;
	s1 =	sadd.s32 s1, s30  }
0xbc: {  	s0 =	sor.u32 s3, s0;
	s1 =	sshll.u32 s1, $0x11  }
0xbd: {  	s0 =	sor.u32 s1, s0  }
0xbe: {  	s0 =	sadd.s32 $0x8F2B, s0  }
0xbf: {  	[sflag:s0] =	ssyncadd.remote.s32 $0x1  }
0xc0: {  	_ =	sfence.sel $0xFFFF  }
0xc1: {  	[dreg:$0x0] =	wrdreg $0xFFFFFFFF;
	(pc) =	sbr.abs _section_cstart, $3  }
0xc2: {  	[dreg:$0x1] =	wrdreg $0xFFFFFFFF  }
0xc3: {  	_ =	task.clear_ibuf [dreg:s8], $0x2FFFF;
	_ =	strace $0x9FFFFFFF  }
0xc4: {  	(tm) =	ssettm $0x7FFFFFFF  }
0xc5: {  	_ =	shalt  }
tec
execute0_lowered:
.L_overlay_start_1:
0x0: {  	(tag) =	ssettag $0x1  }
0x1: {  	s1 =	rddreg [dreg:$0x0];
	s2 =	srdreg.scid  }
0x2: {  	s4 =	rddreg [dreg:$0x1];
	s0 =	stileid.u32  }
0x3: {  	s9 =	rddreg [dreg:$0x2];
	s3 =	simm.s32 $0x0;
	s6 =	sand.u32 $0x1, s2  }
0x4: {  	s5 =	sshll.u32 s0, $0x6;
	s2 =	rddreg [dreg:$0x3];
	s7 =	sshll.u32 s6, $0x5  }
0x5: {  	s8 =	simm.s32 $0x1;
	[smem:$0x7FF] =	sst s3;
	s10 =	sor.u32 s7, s5  }
0x6: {  	_ =	strace $0x80000047;
	s11 =	ssub.s32 $0x2, s6;
	s5 =	sshrl.u32 s10, $0x3  }
0x7: {  	s6 =	simm.s32 $0x20;
	s5 =	sadd.s32 s4, s5;
	s4 =	simm.s32 $0x2  }
0x8: {  	[tilespmem:s3], [sflag:$0x2] =	stream.linear.gather [hbm4b:s5+s3], $0x20, $0x38;
	[tilespmem:$0x1080] =	vst v63  }
0x9: {  	s7 =	simm.s32 $0x80;
	s12 =	sshrl.u32 s11, $0x1;
	_ =	swait.ge [sflag:s4], $0x20  }
0xa: {  	s10 =	sshll.u32 s10, $0x4;
	s31 =	ssub.s32 s11, s12;
	[sflag:s4] =	ssyncset.done $0x0  }
0xb: {  	s9 =	sadd.s32 s10, s9;
	s10 =	smax.u32 s31, $0x1;
	[sflag:s4] =	ssyncadd.s32 $0xFFFFFFE0  }
0xc: {  	[tilespmem:s7], [sflag:$0x1] =	stream.indirect.gather [hbm4b:s1+s6], $0x80, s3, s6, $0xb8;
	[tilespmem:$0x1080] =	vst v63  }
0xd: {  	p0 =	sne.s32 s10, $0x1;
	_ =	swait.ge [sflag:s8], $0x1000  }
.Ltmp0:
0xe: {  	[sflag:s8] =	ssyncset.done $0x0;
	(pc) =	sbr.rel @!p0 .LBB2_2-.Ltmp0, $4  }
0xf: {  	s9 =	sadd.s32 $0xA00, s9;
	[sflag:s8] =	ssyncadd.s32 $0xFFFFF000  }
0x10: {  	[hbm4b:s9+s3] =	stream.linear.scatter [tilespmem:s7], [sflag:$0x2], $0x1000, $0x38;
	[tilespmem:$0x1080] =	vst v63  }
0x11: {  	_ =	swait.ge [sflag:s4], $0x1000  }
0x12: {  	s10 =	sadd.s32 $0xFFFFFFFF, s10;
	[sflag:s4] =	ssyncset.done $0x0  }
.LBB2_1:
0x13: {  	p0 =	sne.s32 s10, $0x1;
	s10 =	sadd.s32 $0xFFFFFFFF, s10;
	[sflag:s4] =	ssyncadd.s32 $0xFFFFF000  }
0x14: {  	[tilespmem:s3], [sflag:$0x2] =	stream.linear.gather [hbm4b:s5+s3], $0x20, $0x38;
	[tilespmem:$0x1080] =	vst v63  }
0x15: {  	_ =	swait.ge [sflag:s4], $0x20  }
0x16: {  	[sflag:s4] =	ssyncset.done $0x0  }
0x17: {  	[sflag:s4] =	ssyncadd.s32 $0xFFFFFFE0  }
0x18: {  	[tilespmem:s7], [sflag:$0x1] =	stream.indirect.gather [hbm4b:s1+s6], $0x80, s3, s6, $0xb8;
	[tilespmem:$0x1080] =	vst v63  }
0x19: {  	_ =	swait.ge [sflag:s8], $0x1000  }
.Ltmp1:
0x1a: {  	[sflag:s8] =	ssyncset.done $0x0;
	(pc) =	sbr.rel @p0 .LBB2_1-.Ltmp1, $4  }
0x1b: {  	[sflag:s8] =	ssyncadd.s32 $0xFFFFF000  }
0x1c: {  	[hbm4b:s9+s3] =	stream.linear.scatter [tilespmem:s7], [sflag:$0x2], $0x1000, $0x38;
	[tilespmem:$0x1080] =	vst v63  }
0x1d: {  	_ =	swait.ge [sflag:s4], $0x1000  }
0x1e: {  	[sflag:s4] =	ssyncset.done $0x0  }
.LBB2_2:
0x1f: {  	[sflag:s4] =	ssyncadd.s32 $0xFFFFF000  }
0x20: {  	_ =	sfence.sel $0x180000  }
0x21: {  	[bflag:$0x0] =	sbarrier.arrive $0xFFFF  }
0x22: {  	p0 =	sne.s32 s0, $0x0;
	_ =	strace $0x90000047  }
0x23: {  	s0 =	sadd.s32 @!p0 $0x100000, s2;
	[bflag:$0x2] =	sbarrier.arrive $0xFFFF  }
0x24: {  	[sflag:s0] =	ssyncadd.tile.s32 @!p0 $0x1;
	_ =	shalt  }
.Lfunc_end2:
_tile_overlayer_lowered:
.L_overlay_start_2:
0x25: {  	(tag) =	ssettag $0x2  }
0x26: {  	s0 =	rddreg [dreg:$0x0];
	s2 =	stileid.u32  }
0x27: {  	s1 =	rddreg [dreg:$0x1];
	p0 =	sne.s32 s2, $0x0  }
0x28: {  	s3 =	rddreg [dreg:$0x2];
	[bflag:$0x3] =	sbarrier.arrive $0xFFFF;
	s2 =	simm.s32 @!p0 $0x1C02  }
0x29: {  	[timem:s3], [sflag:s2] =	dma.local @!p0 [hbm:s0], s1  }
0x2a: {  	s0 =	simm.s32 @!p0 $0x2  }
0x2b: {  	_ =	swait.ge @!p0 [sflag:s0], s1  }
0x2c: {  	s1 =	ssub.s32 @!p0 $0x0, s1;
	[sflag:s0] =	ssyncset.done @!p0 $0x0  }
0x2d: {  	[sflag:s0] =	ssyncadd.s32 @!p0 s1  }
0x2e: {  	[bflag:$0x3] =	sbarrier.arrive $0xFFFF  }
0x2f: {  	_ =	shalt  }

</sc_bundles>
